<compile_context>
chip_gen: v7x
topology: tpu7x:2x2x1
jax: 0.10.2.dev20260603
libtpu: 0.0.44.dev20260713+nightly
codegen_flags: <defaults>
</compile_context>

<pallas_src>
import functools

import jax
import jax.numpy as jnp
from jax import lax
from jax.experimental import pallas as pl
from jax.experimental.pallas import tpu as pltpu
from jax.experimental.pallas import tpu_sc as plsc

N_NODES = 10000
D_FEAT = 128
E_POS = 160000
E_TOTAL = 320000

NC = 2
NS = 16
NW = NC * NS
EPW = E_TOTAL // NW
CREAL = 125
CHUNK = 128
NCHUNK = EPW // CREAL


def _make_sc_logits():
    mesh = plsc.VectorSubcoreMesh(
        core_axis_name="c", subcore_axis_name="s", num_cores=NC, num_subcores=NS
    )

    @functools.partial(
        pl.kernel,
        mesh=mesh,
        compiler_params=pltpu.CompilerParams(
            needs_layout_passes=False, use_tc_tiling_on_sc=False),
        out_type=jax.ShapeDtypeStruct((NW, NCHUNK, CHUNK), jnp.float32),
        scratch_types=[
            pltpu.VMEM((NCHUNK, CREAL), jnp.int32),
            pltpu.VMEM((NCHUNK, CREAL), jnp.int32),
            pltpu.VMEM((CHUNK, D_FEAT), jnp.bfloat16),
            pltpu.VMEM((CHUNK, D_FEAT), jnp.bfloat16),
            pltpu.VMEM((CHUNK, D_FEAT), jnp.bfloat16),
            pltpu.VMEM((CHUNK, D_FEAT), jnp.bfloat16),
            pltpu.VMEM((NCHUNK, CHUNK), jnp.float32),
            pltpu.VMEM_SHARED((N_NODES, D_FEAT), jnp.bfloat16),
            pltpu.SemaphoreType.DMA,
            pltpu.SemaphoreType.DMA,
            pltpu.SemaphoreType.DMA,
        ],
    )
    def sc_logits(z_hbm, pos_s_hbm, pos_d_hbm, neg_s_hbm, neg_d_hbm,
                  out_hbm,
                  idx_s, idx_d, rows_s0, rows_d0, rows_s1, rows_d1,
                  outbuf, z_sp, sem0, sem1, semz):
        wid = lax.axis_index("s") * NC + lax.axis_index("c")
        sid = lax.axis_index("s")

        zrows = N_NODES // NS
        cpz = pltpu.async_copy(
            z_hbm.at[pl.ds(sid * zrows, zrows)],
            z_sp.at[pl.ds(sid * zrows, zrows)], semz)

        @pl.when(wid < NW // 2)
        def _():
            pltpu.sync_copy(pos_s_hbm.at[wid], idx_s)
            pltpu.sync_copy(pos_d_hbm.at[wid], idx_d)

        @pl.when(wid >= NW // 2)
        def _():
            pltpu.sync_copy(neg_s_hbm.at[wid - NW // 2], idx_s)
            pltpu.sync_copy(neg_d_hbm.at[wid - NW // 2], idx_d)

        cpz.wait()
        plsc.subcore_barrier()

        lanes = lax.broadcasted_iota(jnp.int32, (16,), 0)
        dnums = lax.GatherDimensionNumbers(
            offset_dims=(), collapsed_slice_dims=(0,), start_index_map=(0,))

        def lane_shuffle(v, perm):
            return lax.gather(
                v, perm[:, None], dnums, slice_sizes=(1,),
                mode=lax.GatherScatterMode.PROMISE_IN_BOUNDS)

        def start(c, rs, rd, sem):
            pltpu.async_copy(z_sp.at[idx_s.at[c]], rs.at[pl.ds(0, CREAL)], sem)
            pltpu.async_copy(z_sp.at[idx_d.at[c]], rd.at[pl.ds(0, CREAL)], sem)

        def drain(c, rs, rd, sem):
            pltpu.make_async_copy(
                z_sp.at[idx_s.at[c]], rs.at[pl.ds(0, CREAL)], sem).wait()
            pltpu.make_async_copy(
                z_sp.at[idx_d.at[c]], rd.at[pl.ds(0, CREAL)], sem).wait()

        def compute(c, rs, rd):
            @functools.partial(
                plsc.parallel_loop, 0, CHUNK // 16, unroll=2)
            def group_body(g):
                vs = []
                for j in range(16):
                    e = g * 16 + j
                    accb = rs[e, pl.ds(0, 32)] * rd[e, pl.ds(0, 32)]
                    for k in range(1, D_FEAT // 32):
                        accb = accb + (rs[e, pl.ds(k * 32, 32)]
                                       * rd[e, pl.ds(k * 32, 32)])
                    a0, a1 = plsc.unpack(
                        accb, format=plsc.PackFormat.INTERLEAVED)
                    vs.append(a0 + a1)
                for k in range(4):
                    step = 1 << k
                    perm = lanes ^ step
                    m = (lanes & step) == 0
                    vs = [jnp.where(m,
                                    a + lane_shuffle(a, perm),
                                    b + lane_shuffle(b, perm))
                          for a, b in zip(vs[0::2], vs[1::2])]
                outbuf[c, pl.ds(g * 16, 16)] = vs[0]

        start(0, rows_s0, rows_d0, sem0)

        def pair_body(cc, carry):
            c0 = 2 * cc
            start(c0 + 1, rows_s1, rows_d1, sem1)
            drain(c0, rows_s0, rows_d0, sem0)
            compute(c0, rows_s0, rows_d0)
            start(c0 + 2, rows_s0, rows_d0, sem0)
            drain(c0 + 1, rows_s1, rows_d1, sem1)
            compute(c0 + 1, rows_s1, rows_d1)
            return carry

        lax.fori_loop(0, (NCHUNK - 2) // 2, pair_body, 0)
        c0 = NCHUNK - 2
        start(c0 + 1, rows_s1, rows_d1, sem1)
        drain(c0, rows_s0, rows_d0, sem0)
        compute(c0, rows_s0, rows_d0)
        drain(c0 + 1, rows_s1, rows_d1, sem1)
        compute(c0 + 1, rows_s1, rows_d1)
        pltpu.sync_copy(outbuf, out_hbm.at[wid])

    return sc_logits


def _tc_loss_body(l_ref, o_ref):
    l = l_ref[...]
    rows = lax.broadcasted_iota(jnp.int32, l.shape, 0)
    cols = lax.broadcasted_iota(jnp.int32, l.shape, 1)
    x = jnp.where(rows < (NW * NCHUNK) // 2, -l, l)
    sp = jnp.maximum(x, 0.0) + jnp.log1p(jnp.exp(-jnp.abs(x)))
    sp = jnp.where(cols < CREAL, sp, 0.0)
    o_ref[0, 0] = jnp.sum(sp) * (1.0 / E_TOTAL)


_tc_loss = pl.pallas_call(
    _tc_loss_body,
    out_shape=jax.ShapeDtypeStruct((1, 1), jnp.float32),
    out_specs=pl.BlockSpec(memory_space=pltpu.SMEM),
)


@jax.jit
def kernel(z, pos_edge_index, neg_edge_index):
    h = NW // 2
    ps = pos_edge_index[0].reshape(h, NCHUNK, CREAL)
    pd = pos_edge_index[1].reshape(h, NCHUNK, CREAL)
    ns = neg_edge_index[0].reshape(h, NCHUNK, CREAL)
    nd = neg_edge_index[1].reshape(h, NCHUNK, CREAL)
    logits = _make_sc_logits()(z.astype(jnp.bfloat16), ps, pd, ns, nd)
    loss = _tc_loss(logits.reshape(NW * NCHUNK, CHUNK))
    return loss[0, 0]

# --- scband reference (transcript-rebuilt; emitter-appended) ---
"""Pipeline reference for scband-co-82712480186996 (READ-ONLY COPY).

The authoritative reference and input builder live on the scoring server;
editing this copy changes nothing except your own understanding.
"""

import jax, jax.numpy as jnp
import numpy as np

N_NODES = 10000
D_FEAT = 128
E_POS = 160000
E_NEG = 160000


def setup_inputs(seed: int = 0) -> dict:
    key = jax.random.key(seed)
    k1, k2, k3 = jax.random.split(key, 3)
    z = jax.random.normal(k1, (N_NODES, D_FEAT), dtype=jnp.float32)
    pos_edge_index = jax.random.randint(k2, (2, E_POS), 0, N_NODES, dtype=jnp.int32)
    neg_edge_index = jax.random.randint(k3, (2, E_NEG), 0, N_NODES, dtype=jnp.int32)
    return {"z": z, "pos_edge_index": pos_edge_index, "neg_edge_index": neg_edge_index}


def reference(z, pos_edge_index, neg_edge_index):
    # CO.forward with args.bilinear=False, args.sig_contrast=False, args.norm_contrast=False, mu=1.0
    mu = 1.0
    total_edge_index = jnp.concatenate([pos_edge_index, neg_edge_index], axis=-1)
    # torch.index_select(x, 0, idx) -> jnp.take(z, idx, axis=0)
    x_j = jnp.take(z, total_edge_index[0], axis=0)
    x_i = jnp.take(z, total_edge_index[1], axis=0)
    link_logits = jnp.einsum('ef,ef->e', x_i, x_j)
    e_pos = pos_edge_index.shape[1]
    e_total = total_edge_index.shape[1]
    link_labels = jnp.concatenate([
        jnp.ones((e_pos,), dtype=jnp.float32),
        jnp.zeros((e_total - e_pos,), dtype=jnp.float32),
    ])
    l = link_logits / mu
    # numerically stable binary_cross_entropy_with_logits, mean reduction (torch formula)
    loss_contrast = jnp.mean(jnp.maximum(l, 0.0) - l * link_labels + jnp.log1p(jnp.exp(-jnp.abs(l))))
    return loss_contrast

if __name__ == "__main__":
    import jax
    _d = setup_inputs()
    print(jax.jit(kernel)(*tuple(_d.values())))

</pallas_src>

<mosaic_0001>
#map = affine_map<(d0, d1) -> (0, 0)>
#map1 = affine_map<(d0, d1) -> (0, 0, 0)>
module attributes {stable_mosaic.version = 14 : i64} {
  func.func @sc_logits(%arg0: i32, %arg1: i32, %arg2: memref<10000x128xbf16, #tpu.memory_space<hbm>>, %arg3: memref<16x80x125xi32, #tpu.memory_space<hbm>>, %arg4: memref<16x80x125xi32, #tpu.memory_space<hbm>>, %arg5: memref<16x80x125xi32, #tpu.memory_space<hbm>>, %arg6: memref<16x80x125xi32, #tpu.memory_space<hbm>>, %arg7: memref<32x80x128xf32, #tpu.memory_space<hbm>>, %arg8: memref<80x125xi32, #tpu.memory_space<vmem>>, %arg9: memref<80x125xi32, #tpu.memory_space<vmem>>, %arg10: memref<128x128xbf16, #tpu.memory_space<vmem>>, %arg11: memref<128x128xbf16, #tpu.memory_space<vmem>>, %arg12: memref<128x128xbf16, #tpu.memory_space<vmem>>, %arg13: memref<128x128xbf16, #tpu.memory_space<vmem>>, %arg14: memref<80x128xf32, #tpu.memory_space<vmem>>, %arg15: memref<10000x128xbf16, #tpu.memory_space<vmem_shared>>, %arg16: memref<!tpu.dma_semaphore, #tpu.memory_space<semaphore_mem>>, %arg17: memref<!tpu.dma_semaphore, #tpu.memory_space<semaphore_mem>>, %arg18: memref<!tpu.dma_semaphore, #tpu.memory_space<semaphore_mem>>) attributes {dimension_semantics = [#tpu.dimension_semantics<core_parallel>, #tpu.dimension_semantics<subcore_parallel>], iteration_bounds = array<i64: 2, 16>, scalar_prefetch = 0 : i64, scratch_operands = 11 : i64, tpu.core_type = #tpu.core_type<sc_vector_subcore>, window_params = [{transform_indices = #map}, {transform_indices = #map1}, {transform_indices = #map1}, {transform_indices = #map1}, {transform_indices = #map1}, {transform_indices = #map1}]} {
    %mul3A = arith.constant 2 : i32
    %mul3A_0 = arith.muli %arg1, %mul3A : i32
    %add3A = arith.addi %mul3A_0, %arg0 : i32
    %mul3A_1 = arith.constant 625 : i32
    %mul3A_2 = arith.muli %arg1, %mul3A_1 : i32
    %mul3A_3 = arith.constant 625 : i32
    %mul3A_4 = arith.muli %arg1, %mul3A_3 : i32
    %dma_start3A = arith.constant 0 : i32
    %dma_start3A_5 = tpu.memref_slice %arg15[%mul3A_4, %dma_start3A] : memref<10000x128xbf16, #tpu.memory_space<vmem_shared>> -> memref<625x128xbf16, #tpu.memory_space<vmem_shared>>
    %dma_start3A_6 = arith.constant 0 : i32
    %dma_start3A_7 = tpu.memref_slice %arg2[%mul3A_2, %dma_start3A_6] : memref<10000x128xbf16, #tpu.memory_space<hbm>> -> memref<625x128xbf16, #tpu.memory_space<hbm>>
    tpu.enqueue_dma source(%dma_start3A_7 : memref<625x128xbf16, #tpu.memory_space<hbm>>) target(%dma_start3A_5 : memref<625x128xbf16, #tpu.memory_space<vmem_shared>>) target_semaphore(%arg18 : memref<!tpu.dma_semaphore, #tpu.memory_space<semaphore_mem>>)
    %lt3A = arith.constant 16 : i32
    %lt3A_8 = arith.cmpi slt, %add3A, %lt3A : i32
    %convert_element_type3A = arith.extui %lt3A_8 : i1 to i32
    %cond3A = arith.constant 0 : i32
    %cond3A_9 = arith.cmpi ne, %convert_element_type3A, %cond3A : i32
    scf.if %cond3A_9 {
      "tpu.region"() ({
        %run_scoped3A = tpu.sem_alloc : memref<!tpu.dma_semaphore, #tpu.memory_space<semaphore_mem>>
        %dma_start3A_102 = arith.constant 0 : i32
        %dma_start3A_103 = arith.constant 0 : i32
        %dma_start3A_104 = tpu.memref_slice %arg3[%add3A, %dma_start3A_102, %dma_start3A_103] : memref<16x80x125xi32, #tpu.memory_space<hbm>> -> memref<1x80x125xi32, #tpu.memory_space<hbm>>
        %dma_start3A_105 = tpu.memref_squeeze %dma_start3A_104 : memref<1x80x125xi32, #tpu.memory_space<hbm>> -> memref<80x125xi32, #tpu.memory_space<hbm>>
        %dma_start3A_106 = arith.constant 0 : i32
        %dma_start3A_107 = arith.constant 0 : i32
        %dma_start3A_108 = tpu.memref_slice %arg3[%add3A, %dma_start3A_106, %dma_start3A_107] : memref<16x80x125xi32, #tpu.memory_space<hbm>> -> memref<1x80x125xi32, #tpu.memory_space<hbm>>
        %dma_start3A_109 = tpu.memref_squeeze %dma_start3A_108 : memref<1x80x125xi32, #tpu.memory_space<hbm>> -> memref<80x125xi32, #tpu.memory_space<hbm>>
        tpu.enqueue_dma source(%dma_start3A_109 : memref<80x125xi32, #tpu.memory_space<hbm>>) target(%arg8 : memref<80x125xi32, #tpu.memory_space<vmem>>) target_semaphore(%run_scoped3A : memref<!tpu.dma_semaphore, #tpu.memory_space<semaphore_mem>>)
        %dma_wait3A_110 = arith.constant 0 : i32
        %dma_wait3A_111 = arith.constant 0 : i32
        %dma_wait3A_112 = tpu.memref_slice %arg3[%add3A, %dma_wait3A_110, %dma_wait3A_111] : memref<16x80x125xi32, #tpu.memory_space<hbm>> -> memref<1x80x125xi32, #tpu.memory_space<hbm>>
        %dma_wait3A_113 = tpu.memref_squeeze %dma_wait3A_112 : memref<1x80x125xi32, #tpu.memory_space<hbm>> -> memref<80x125xi32, #tpu.memory_space<hbm>>
        %dma_wait3A_114 = arith.constant 0 : i32
        %dma_wait3A_115 = arith.constant 0 : i32
        %dma_wait3A_116 = tpu.memref_slice %arg3[%add3A, %dma_wait3A_114, %dma_wait3A_115] : memref<16x80x125xi32, #tpu.memory_space<hbm>> -> memref<1x80x125xi32, #tpu.memory_space<hbm>>
        %dma_wait3A_117 = tpu.memref_squeeze %dma_wait3A_116 : memref<1x80x125xi32, #tpu.memory_space<hbm>> -> memref<80x125xi32, #tpu.memory_space<hbm>>
        tpu.wait_dma2 semaphore(%run_scoped3A : memref<!tpu.dma_semaphore, #tpu.memory_space<semaphore_mem>>) src(%dma_wait3A_117 : memref<80x125xi32, #tpu.memory_space<hbm>>) dst(%arg8 : memref<80x125xi32, #tpu.memory_space<vmem>>)
        tpu.yield
      }) : () -> ()
      "tpu.region"() ({
        %run_scoped3A = tpu.sem_alloc : memref<!tpu.dma_semaphore, #tpu.memory_space<semaphore_mem>>
        %dma_start3A_102 = arith.constant 0 : i32
        %dma_start3A_103 = arith.constant 0 : i32
        %dma_start3A_104 = tpu.memref_slice %arg4[%add3A, %dma_start3A_102, %dma_start3A_103] : memref<16x80x125xi32, #tpu.memory_space<hbm>> -> memref<1x80x125xi32, #tpu.memory_space<hbm>>
        %dma_start3A_105 = tpu.memref_squeeze %dma_start3A_104 : memref<1x80x125xi32, #tpu.memory_space<hbm>> -> memref<80x125xi32, #tpu.memory_space<hbm>>
        %dma_start3A_106 = arith.constant 0 : i32
        %dma_start3A_107 = arith.constant 0 : i32
        %dma_start3A_108 = tpu.memref_slice %arg4[%add3A, %dma_start3A_106, %dma_start3A_107] : memref<16x80x125xi32, #tpu.memory_space<hbm>> -> memref<1x80x125xi32, #tpu.memory_space<hbm>>
        %dma_start3A_109 = tpu.memref_squeeze %dma_start3A_108 : memref<1x80x125xi32, #tpu.memory_space<hbm>> -> memref<80x125xi32, #tpu.memory_space<hbm>>
        tpu.enqueue_dma source(%dma_start3A_109 : memref<80x125xi32, #tpu.memory_space<hbm>>) target(%arg9 : memref<80x125xi32, #tpu.memory_space<vmem>>) target_semaphore(%run_scoped3A : memref<!tpu.dma_semaphore, #tpu.memory_space<semaphore_mem>>)
        %dma_wait3A_110 = arith.constant 0 : i32
        %dma_wait3A_111 = arith.constant 0 : i32
        %dma_wait3A_112 = tpu.memref_slice %arg4[%add3A, %dma_wait3A_110, %dma_wait3A_111] : memref<16x80x125xi32, #tpu.memory_space<hbm>> -> memref<1x80x125xi32, #tpu.memory_space<hbm>>
        %dma_wait3A_113 = tpu.memref_squeeze %dma_wait3A_112 : memref<1x80x125xi32, #tpu.memory_space<hbm>> -> memref<80x125xi32, #tpu.memory_space<hbm>>
        %dma_wait3A_114 = arith.constant 0 : i32
        %dma_wait3A_115 = arith.constant 0 : i32
        %dma_wait3A_116 = tpu.memref_slice %arg4[%add3A, %dma_wait3A_114, %dma_wait3A_115] : memref<16x80x125xi32, #tpu.memory_space<hbm>> -> memref<1x80x125xi32, #tpu.memory_space<hbm>>
        %dma_wait3A_117 = tpu.memref_squeeze %dma_wait3A_116 : memref<1x80x125xi32, #tpu.memory_space<hbm>> -> memref<80x125xi32, #tpu.memory_space<hbm>>
        tpu.wait_dma2 semaphore(%run_scoped3A : memref<!tpu.dma_semaphore, #tpu.memory_space<semaphore_mem>>) src(%dma_wait3A_117 : memref<80x125xi32, #tpu.memory_space<hbm>>) dst(%arg9 : memref<80x125xi32, #tpu.memory_space<vmem>>)
        tpu.yield
      }) : () -> ()
    } else {
    }
    %ge3A = arith.constant 16 : i32
    %ge3A_10 = arith.cmpi sge, %add3A, %ge3A : i32
    %convert_element_type3A_11 = arith.extui %ge3A_10 : i1 to i32
    %cond3A_12 = arith.constant 0 : i32
    %cond3A_13 = arith.cmpi ne, %convert_element_type3A_11, %cond3A_12 : i32
    scf.if %cond3A_13 {
      %sub3A = arith.constant 16 : i32
      %sub3A_102 = arith.subi %add3A, %sub3A : i32
      "tpu.region"() ({
        %run_scoped3A = tpu.sem_alloc : memref<!tpu.dma_semaphore, #tpu.memory_space<semaphore_mem>>
        %dma_start3A_105 = arith.constant 0 : i32
        %dma_start3A_106 = arith.constant 0 : i32
        %dma_start3A_107 = tpu.memref_slice %arg5[%sub3A_102, %dma_start3A_105, %dma_start3A_106] : memref<16x80x125xi32, #tpu.memory_space<hbm>> -> memref<1x80x125xi32, #tpu.memory_space<hbm>>
        %dma_start3A_108 = tpu.memref_squeeze %dma_start3A_107 : memref<1x80x125xi32, #tpu.memory_space<hbm>> -> memref<80x125xi32, #tpu.memory_space<hbm>>
        %dma_start3A_109 = arith.constant 0 : i32
        %dma_start3A_110 = arith.constant 0 : i32
        %dma_start3A_111 = tpu.memref_slice %arg5[%sub3A_102, %dma_start3A_109, %dma_start3A_110] : memref<16x80x125xi32, #tpu.memory_space<hbm>> -> memref<1x80x125xi32, #tpu.memory_space<hbm>>
        %dma_start3A_112 = tpu.memref_squeeze %dma_start3A_111 : memref<1x80x125xi32, #tpu.memory_space<hbm>> -> memref<80x125xi32, #tpu.memory_space<hbm>>
        tpu.enqueue_dma source(%dma_start3A_112 : memref<80x125xi32, #tpu.memory_space<hbm>>) target(%arg8 : memref<80x125xi32, #tpu.memory_space<vmem>>) target_semaphore(%run_scoped3A : memref<!tpu.dma_semaphore, #tpu.memory_space<semaphore_mem>>)
        %dma_wait3A_113 = arith.constant 0 : i32
        %dma_wait3A_114 = arith.constant 0 : i32
        %dma_wait3A_115 = tpu.memref_slice %arg5[%sub3A_102, %dma_wait3A_113, %dma_wait3A_114] : memref<16x80x125xi32, #tpu.memory_space<hbm>> -> memref<1x80x125xi32, #tpu.memory_space<hbm>>
        %dma_wait3A_116 = tpu.memref_squeeze %dma_wait3A_115 : memref<1x80x125xi32, #tpu.memory_space<hbm>> -> memref<80x125xi32, #tpu.memory_space<hbm>>
        %dma_wait3A_117 = arith.constant 0 : i32
        %dma_wait3A_118 = arith.constant 0 : i32
        %dma_wait3A_119 = tpu.memref_slice %arg5[%sub3A_102, %dma_wait3A_117, %dma_wait3A_118] : memref<16x80x125xi32, #tpu.memory_space<hbm>> -> memref<1x80x125xi32, #tpu.memory_space<hbm>>
        %dma_wait3A_120 = tpu.memref_squeeze %dma_wait3A_119 : memref<1x80x125xi32, #tpu.memory_space<hbm>> -> memref<80x125xi32, #tpu.memory_space<hbm>>
        tpu.wait_dma2 semaphore(%run_scoped3A : memref<!tpu.dma_semaphore, #tpu.memory_space<semaphore_mem>>) src(%dma_wait3A_120 : memref<80x125xi32, #tpu.memory_space<hbm>>) dst(%arg8 : memref<80x125xi32, #tpu.memory_space<vmem>>)
        tpu.yield
      }) : () -> ()
      %sub3A_103 = arith.constant 16 : i32
      %sub3A_104 = arith.subi %add3A, %sub3A_103 : i32
      "tpu.region"() ({
        %run_scoped3A = tpu.sem_alloc : memref<!tpu.dma_semaphore, #tpu.memory_space<semaphore_mem>>
        %dma_start3A_105 = arith.constant 0 : i32
        %dma_start3A_106 = arith.constant 0 : i32
        %dma_start3A_107 = tpu.memref_slice %arg6[%sub3A_104, %dma_start3A_105, %dma_start3A_106] : memref<16x80x125xi32, #tpu.memory_space<hbm>> -> memref<1x80x125xi32, #tpu.memory_space<hbm>>
        %dma_start3A_108 = tpu.memref_squeeze %dma_start3A_107 : memref<1x80x125xi32, #tpu.memory_space<hbm>> -> memref<80x125xi32, #tpu.memory_space<hbm>>
        %dma_start3A_109 = arith.constant 0 : i32
        %dma_start3A_110 = arith.constant 0 : i32
        %dma_start3A_111 = tpu.memref_slice %arg6[%sub3A_104, %dma_start3A_109, %dma_start3A_110] : memref<16x80x125xi32, #tpu.memory_space<hbm>> -> memref<1x80x125xi32, #tpu.memory_space<hbm>>
        %dma_start3A_112 = tpu.memref_squeeze %dma_start3A_111 : memref<1x80x125xi32, #tpu.memory_space<hbm>> -> memref<80x125xi32, #tpu.memory_space<hbm>>
        tpu.enqueue_dma source(%dma_start3A_112 : memref<80x125xi32, #tpu.memory_space<hbm>>) target(%arg9 : memref<80x125xi32, #tpu.memory_space<vmem>>) target_semaphore(%run_scoped3A : memref<!tpu.dma_semaphore, #tpu.memory_space<semaphore_mem>>)
        %dma_wait3A_113 = arith.constant 0 : i32
        %dma_wait3A_114 = arith.constant 0 : i32
        %dma_wait3A_115 = tpu.memref_slice %arg6[%sub3A_104, %dma_wait3A_113, %dma_wait3A_114] : memref<16x80x125xi32, #tpu.memory_space<hbm>> -> memref<1x80x125xi32, #tpu.memory_space<hbm>>
        %dma_wait3A_116 = tpu.memref_squeeze %dma_wait3A_115 : memref<1x80x125xi32, #tpu.memory_space<hbm>> -> memref<80x125xi32, #tpu.memory_space<hbm>>
        %dma_wait3A_117 = arith.constant 0 : i32
        %dma_wait3A_118 = arith.constant 0 : i32
        %dma_wait3A_119 = tpu.memref_slice %arg6[%sub3A_104, %dma_wait3A_117, %dma_wait3A_118] : memref<16x80x125xi32, #tpu.memory_space<hbm>> -> memref<1x80x125xi32, #tpu.memory_space<hbm>>
        %dma_wait3A_120 = tpu.memref_squeeze %dma_wait3A_119 : memref<1x80x125xi32, #tpu.memory_space<hbm>> -> memref<80x125xi32, #tpu.memory_space<hbm>>
        tpu.wait_dma2 semaphore(%run_scoped3A : memref<!tpu.dma_semaphore, #tpu.memory_space<semaphore_mem>>) src(%dma_wait3A_120 : memref<80x125xi32, #tpu.memory_space<hbm>>) dst(%arg9 : memref<80x125xi32, #tpu.memory_space<vmem>>)
        tpu.yield
      }) : () -> ()
    } else {
    }
    %dma_wait3A = arith.constant 0 : i32
    %dma_wait3A_14 = tpu.memref_slice %arg15[%mul3A_4, %dma_wait3A] : memref<10000x128xbf16, #tpu.memory_space<vmem_shared>> -> memref<625x128xbf16, #tpu.memory_space<vmem_shared>>
    %dma_wait3A_15 = arith.constant 0 : i32
    %dma_wait3A_16 = tpu.memref_slice %arg2[%mul3A_2, %dma_wait3A_15] : memref<10000x128xbf16, #tpu.memory_space<hbm>> -> memref<625x128xbf16, #tpu.memory_space<hbm>>
    tpu.wait_dma2 semaphore(%arg18 : memref<!tpu.dma_semaphore, #tpu.memory_space<semaphore_mem>>) src(%dma_wait3A_16 : memref<625x128xbf16, #tpu.memory_space<hbm>>) dst(%dma_wait3A_14 : memref<625x128xbf16, #tpu.memory_space<vmem_shared>>)
    %barrier3A = arith.constant 0 : index
    tpu.barrier barrier_id(%barrier3A)
    %iota3A = tpu.iota {dimensions = array<i32: 0>} : vector<16xi32>
    %dma_start3A_17 = arith.constant 0 : i32
    %dma_start3A_18 = arith.constant 0 : i32
    %dma_start3A_19 = arith.constant 0 : i32
    %dma_start3A_20 = tpu.memref_slice %arg10[%dma_start3A_18, %dma_start3A_19] : memref<128x128xbf16, #tpu.memory_space<vmem>> -> memref<125x128xbf16, #tpu.memory_space<vmem>>
    %dma_start3A_21 = arith.constant 0 : i32
    %dma_start3A_22 = tpu.memref_slice %arg8[%dma_start3A_17, %dma_start3A_21] : memref<80x125xi32, #tpu.memory_space<vmem>> -> memref<1x125xi32, #tpu.memory_space<vmem>>
    %dma_start3A_23 = tpu.memref_squeeze %dma_start3A_22 : memref<1x125xi32, #tpu.memory_space<vmem>> -> memref<125xi32, #tpu.memory_space<vmem>>
    %dma_start3A_24 = arith.constant 0 : i32
    %dma_start3A_25 = arith.constant 0 : i32
    %dma_start3A_26 = tpu.memref_slice %arg15[%dma_start3A_24, %dma_start3A_25] : memref<10000x128xbf16, #tpu.memory_space<vmem_shared>> -> memref<10000x128xbf16, #tpu.memory_space<vmem_shared>>
    tpu.enqueue_indirect_dma source(%dma_start3A_26 : memref<10000x128xbf16, #tpu.memory_space<vmem_shared>>) target(%dma_start3A_20 : memref<125x128xbf16, #tpu.memory_space<vmem>>) offsets(%dma_start3A_23 : memref<125xi32, #tpu.memory_space<vmem>>) semaphore(%arg16 : memref<!tpu.dma_semaphore, #tpu.memory_space<semaphore_mem>>)
    %dma_start3A_27 = arith.constant 0 : i32
    %dma_start3A_28 = arith.constant 0 : i32
    %dma_start3A_29 = arith.constant 0 : i32
    %dma_start3A_30 = tpu.memref_slice %arg11[%dma_start3A_28, %dma_start3A_29] : memref<128x128xbf16, #tpu.memory_space<vmem>> -> memref<125x128xbf16, #tpu.memory_space<vmem>>
    %dma_start3A_31 = arith.constant 0 : i32
    %dma_start3A_32 = tpu.memref_slice %arg9[%dma_start3A_27, %dma_start3A_31] : memref<80x125xi32, #tpu.memory_space<vmem>> -> memref<1x125xi32, #tpu.memory_space<vmem>>
    %dma_start3A_33 = tpu.memref_squeeze %dma_start3A_32 : memref<1x125xi32, #tpu.memory_space<vmem>> -> memref<125xi32, #tpu.memory_space<vmem>>
    %dma_start3A_34 = arith.constant 0 : i32
    %dma_start3A_35 = arith.constant 0 : i32
    %dma_start3A_36 = tpu.memref_slice %arg15[%dma_start3A_34, %dma_start3A_35] : memref<10000x128xbf16, #tpu.memory_space<vmem_shared>> -> memref<10000x128xbf16, #tpu.memory_space<vmem_shared>>
    tpu.enqueue_indirect_dma source(%dma_start3A_36 : memref<10000x128xbf16, #tpu.memory_space<vmem_shared>>) target(%dma_start3A_30 : memref<125x128xbf16, #tpu.memory_space<vmem>>) offsets(%dma_start3A_33 : memref<125xi32, #tpu.memory_space<vmem>>) semaphore(%arg16 : memref<!tpu.dma_semaphore, #tpu.memory_space<semaphore_mem>>)
    %scan3A = arith.constant 0 : i32
    %scan3A_37 = arith.constant 0 : i32
    %scan3A_38 = arith.constant 39 : i32
    %scan3A_39 = arith.addi %scan3A_37, %scan3A_38 : i32
    %scan3A_40 = arith.constant 1 : i32
    scf.for %scan3A_102 = %scan3A_37 to %scan3A_39 step %scan3A_40  : i32 {
      %mul3A_103 = arith.constant 2 : i32
      %mul3A_104 = arith.muli %mul3A_103, %scan3A_102 : i32
      %add3A_105 = arith.constant 1 : i32
      %add3A_106 = arith.addi %mul3A_104, %add3A_105 : i32
      %dma_start3A_107 = arith.constant 0 : i32
      %dma_start3A_108 = arith.constant 0 : i32
      %dma_start3A_109 = tpu.memref_slice %arg12[%dma_start3A_107, %dma_start3A_108] : memref<128x128xbf16, #tpu.memory_space<vmem>> -> memref<125x128xbf16, #tpu.memory_space<vmem>>
      %dma_start3A_110 = arith.constant 0 : i32
      %dma_start3A_111 = tpu.memref_slice %arg8[%add3A_106, %dma_start3A_110] : memref<80x125xi32, #tpu.memory_space<vmem>> -> memref<1x125xi32, #tpu.memory_space<vmem>>
      %dma_start3A_112 = tpu.memref_squeeze %dma_start3A_111 : memref<1x125xi32, #tpu.memory_space<vmem>> -> memref<125xi32, #tpu.memory_space<vmem>>
      %dma_start3A_113 = arith.constant 0 : i32
      %dma_start3A_114 = arith.constant 0 : i32
      %dma_start3A_115 = tpu.memref_slice %arg15[%dma_start3A_113, %dma_start3A_114] : memref<10000x128xbf16, #tpu.memory_space<vmem_shared>> -> memref<10000x128xbf16, #tpu.memory_space<vmem_shared>>
      tpu.enqueue_indirect_dma source(%dma_start3A_115 : memref<10000x128xbf16, #tpu.memory_space<vmem_shared>>) target(%dma_start3A_109 : memref<125x128xbf16, #tpu.memory_space<vmem>>) offsets(%dma_start3A_112 : memref<125xi32, #tpu.memory_space<vmem>>) semaphore(%arg17 : memref<!tpu.dma_semaphore, #tpu.memory_space<semaphore_mem>>)
      %dma_start3A_116 = arith.constant 0 : i32
      %dma_start3A_117 = arith.constant 0 : i32
      %dma_start3A_118 = tpu.memref_slice %arg13[%dma_start3A_116, %dma_start3A_117] : memref<128x128xbf16, #tpu.memory_space<vmem>> -> memref<125x128xbf16, #tpu.memory_space<vmem>>
      %dma_start3A_119 = arith.constant 0 : i32
      %dma_start3A_120 = tpu.memref_slice %arg9[%add3A_106, %dma_start3A_119] : memref<80x125xi32, #tpu.memory_space<vmem>> -> memref<1x125xi32, #tpu.memory_space<vmem>>
      %dma_start3A_121 = tpu.memref_squeeze %dma_start3A_120 : memref<1x125xi32, #tpu.memory_space<vmem>> -> memref<125xi32, #tpu.memory_space<vmem>>
      %dma_start3A_122 = arith.constant 0 : i32
      %dma_start3A_123 = arith.constant 0 : i32
      %dma_start3A_124 = tpu.memref_slice %arg15[%dma_start3A_122, %dma_start3A_123] : memref<10000x128xbf16, #tpu.memory_space<vmem_shared>> -> memref<10000x128xbf16, #tpu.memory_space<vmem_shared>>
      tpu.enqueue_indirect_dma source(%dma_start3A_124 : memref<10000x128xbf16, #tpu.memory_space<vmem_shared>>) target(%dma_start3A_118 : memref<125x128xbf16, #tpu.memory_space<vmem>>) offsets(%dma_start3A_121 : memref<125xi32, #tpu.memory_space<vmem>>) semaphore(%arg17 : memref<!tpu.dma_semaphore, #tpu.memory_space<semaphore_mem>>)
      %dma_wait3A_125 = arith.constant 0 : i32
      %dma_wait3A_126 = arith.constant 0 : i32
      %dma_wait3A_127 = tpu.memref_slice %arg10[%dma_wait3A_125, %dma_wait3A_126] : memref<128x128xbf16, #tpu.memory_space<vmem>> -> memref<125x128xbf16, #tpu.memory_space<vmem>>
      %dma_wait3A_128 = arith.constant 0 : i32
      %dma_wait3A_129 = tpu.memref_slice %arg8[%mul3A_104, %dma_wait3A_128] : memref<80x125xi32, #tpu.memory_space<vmem>> -> memref<1x125xi32, #tpu.memory_space<vmem>>
      %dma_wait3A_130 = tpu.memref_squeeze %dma_wait3A_129 : memref<1x125xi32, #tpu.memory_space<vmem>> -> memref<125xi32, #tpu.memory_space<vmem>>
      %dma_wait3A_131 = arith.constant 0 : i32
      %dma_wait3A_132 = arith.constant 0 : i32
      %dma_wait3A_133 = tpu.memref_slice %arg15[%dma_wait3A_131, %dma_wait3A_132] : memref<10000x128xbf16, #tpu.memory_space<vmem_shared>> -> memref<10000x128xbf16, #tpu.memory_space<vmem_shared>>
      tpu.wait_indirect_dma semaphore(%arg16 : memref<!tpu.dma_semaphore, #tpu.memory_space<semaphore_mem>>) src(%dma_wait3A_133 : memref<10000x128xbf16, #tpu.memory_space<vmem_shared>>) dst(%dma_wait3A_127 : memref<125x128xbf16, #tpu.memory_space<vmem>>)
      %dma_wait3A_134 = arith.constant 0 : i32
      %dma_wait3A_135 = arith.constant 0 : i32
      %dma_wait3A_136 = tpu.memref_slice %arg11[%dma_wait3A_134, %dma_wait3A_135] : memref<128x128xbf16, #tpu.memory_space<vmem>> -> memref<125x128xbf16, #tpu.memory_space<vmem>>
      %dma_wait3A_137 = arith.constant 0 : i32
      %dma_wait3A_138 = tpu.memref_slice %arg9[%mul3A_104, %dma_wait3A_137] : memref<80x125xi32, #tpu.memory_space<vmem>> -> memref<1x125xi32, #tpu.memory_space<vmem>>
      %dma_wait3A_139 = tpu.memref_squeeze %dma_wait3A_138 : memref<1x125xi32, #tpu.memory_space<vmem>> -> memref<125xi32, #tpu.memory_space<vmem>>
      %dma_wait3A_140 = arith.constant 0 : i32
      %dma_wait3A_141 = arith.constant 0 : i32
      %dma_wait3A_142 = tpu.memref_slice %arg15[%dma_wait3A_140, %dma_wait3A_141] : memref<10000x128xbf16, #tpu.memory_space<vmem_shared>> -> memref<10000x128xbf16, #tpu.memory_space<vmem_shared>>
      tpu.wait_indirect_dma semaphore(%arg16 : memref<!tpu.dma_semaphore, #tpu.memory_space<semaphore_mem>>) src(%dma_wait3A_142 : memref<10000x128xbf16, #tpu.memory_space<vmem_shared>>) dst(%dma_wait3A_136 : memref<125x128xbf16, #tpu.memory_space<vmem>>)
      %add3A_143 = arith.constant 2 : i32
      %add3A_144 = arith.addi %mul3A_104, %add3A_143 : i32
      %dma_start3A_145 = arith.constant 0 : i32
      %dma_start3A_146 = arith.constant 0 : i32
      %dma_start3A_147 = tpu.memref_slice %arg10[%dma_start3A_145, %dma_start3A_146] : memref<128x128xbf16, #tpu.memory_space<vmem>> -> memref<125x128xbf16, #tpu.memory_space<vmem>>
      %dma_start3A_148 = arith.constant 0 : i32
      %dma_start3A_149 = tpu.memref_slice %arg8[%add3A_144, %dma_start3A_148] : memref<80x125xi32, #tpu.memory_space<vmem>> -> memref<1x125xi32, #tpu.memory_space<vmem>>
      %dma_start3A_150 = tpu.memref_squeeze %dma_start3A_149 : memref<1x125xi32, #tpu.memory_space<vmem>> -> memref<125xi32, #tpu.memory_space<vmem>>
      %dma_start3A_151 = arith.constant 0 : i32
      %dma_start3A_152 = arith.constant 0 : i32
      %dma_start3A_153 = tpu.memref_slice %arg15[%dma_start3A_151, %dma_start3A_152] : memref<10000x128xbf16, #tpu.memory_space<vmem_shared>> -> memref<10000x128xbf16, #tpu.memory_space<vmem_shared>>
      tpu.enqueue_indirect_dma source(%dma_start3A_153 : memref<10000x128xbf16, #tpu.memory_space<vmem_shared>>) target(%dma_start3A_147 : memref<125x128xbf16, #tpu.memory_space<vmem>>) offsets(%dma_start3A_150 : memref<125xi32, #tpu.memory_space<vmem>>) semaphore(%arg16 : memref<!tpu.dma_semaphore, #tpu.memory_space<semaphore_mem>>)
      %dma_start3A_154 = arith.constant 0 : i32
      %dma_start3A_155 = arith.constant 0 : i32
      %dma_start3A_156 = tpu.memref_slice %arg11[%dma_start3A_154, %dma_start3A_155] : memref<128x128xbf16, #tpu.memory_space<vmem>> -> memref<125x128xbf16, #tpu.memory_space<vmem>>
      %dma_start3A_157 = arith.constant 0 : i32
      %dma_start3A_158 = tpu.memref_slice %arg9[%add3A_144, %dma_start3A_157] : memref<80x125xi32, #tpu.memory_space<vmem>> -> memref<1x125xi32, #tpu.memory_space<vmem>>
      %dma_start3A_159 = tpu.memref_squeeze %dma_start3A_158 : memref<1x125xi32, #tpu.memory_space<vmem>> -> memref<125xi32, #tpu.memory_space<vmem>>
      %dma_start3A_160 = arith.constant 0 : i32
      %dma_start3A_161 = arith.constant 0 : i32
      %dma_start3A_162 = tpu.memref_slice %arg15[%dma_start3A_160, %dma_start3A_161] : memref<10000x128xbf16, #tpu.memory_space<vmem_shared>> -> memref<10000x128xbf16, #tpu.memory_space<vmem_shared>>
      tpu.enqueue_indirect_dma source(%dma_start3A_162 : memref<10000x128xbf16, #tpu.memory_space<vmem_shared>>) target(%dma_start3A_156 : memref<125x128xbf16, #tpu.memory_space<vmem>>) offsets(%dma_start3A_159 : memref<125xi32, #tpu.memory_space<vmem>>) semaphore(%arg16 : memref<!tpu.dma_semaphore, #tpu.memory_space<semaphore_mem>>)
      %add3A_163 = arith.constant 1 : i32
      %add3A_164 = arith.addi %mul3A_104, %add3A_163 : i32
      %dma_wait3A_165 = arith.constant 0 : i32
      %dma_wait3A_166 = arith.constant 0 : i32
      %dma_wait3A_167 = tpu.memref_slice %arg12[%dma_wait3A_165, %dma_wait3A_166] : memref<128x128xbf16, #tpu.memory_space<vmem>> -> memref<125x128xbf16, #tpu.memory_space<vmem>>
      %dma_wait3A_168 = arith.constant 0 : i32
      %dma_wait3A_169 = tpu.memref_slice %arg8[%add3A_164, %dma_wait3A_168] : memref<80x125xi32, #tpu.memory_space<vmem>> -> memref<1x125xi32, #tpu.memory_space<vmem>>
      %dma_wait3A_170 = tpu.memref_squeeze %dma_wait3A_169 : memref<1x125xi32, #tpu.memory_space<vmem>> -> memref<125xi32, #tpu.memory_space<vmem>>
      %dma_wait3A_171 = arith.constant 0 : i32
      %dma_wait3A_172 = arith.constant 0 : i32
      %dma_wait3A_173 = tpu.memref_slice %arg15[%dma_wait3A_171, %dma_wait3A_172] : memref<10000x128xbf16, #tpu.memory_space<vmem_shared>> -> memref<10000x128xbf16, #tpu.memory_space<vmem_shared>>
      tpu.wait_indirect_dma semaphore(%arg17 : memref<!tpu.dma_semaphore, #tpu.memory_space<semaphore_mem>>) src(%dma_wait3A_173 : memref<10000x128xbf16, #tpu.memory_space<vmem_shared>>) dst(%dma_wait3A_167 : memref<125x128xbf16, #tpu.memory_space<vmem>>)
      %dma_wait3A_174 = arith.constant 0 : i32
      %dma_wait3A_175 = arith.constant 0 : i32
      %dma_wait3A_176 = tpu.memref_slice %arg13[%dma_wait3A_174, %dma_wait3A_175] : memref<128x128xbf16, #tpu.memory_space<vmem>> -> memref<125x128xbf16, #tpu.memory_space<vmem>>
      %dma_wait3A_177 = arith.constant 0 : i32
      %dma_wait3A_178 = tpu.memref_slice %arg9[%add3A_164, %dma_wait3A_177] : memref<80x125xi32, #tpu.memory_space<vmem>> -> memref<1x125xi32, #tpu.memory_space<vmem>>
      %dma_wait3A_179 = tpu.memref_squeeze %dma_wait3A_178 : memref<1x125xi32, #tpu.memory_space<vmem>> -> memref<125xi32, #tpu.memory_space<vmem>>
      %dma_wait3A_180 = arith.constant 0 : i32
      %dma_wait3A_181 = arith.constant 0 : i32
      %dma_wait3A_182 = tpu.memref_slice %arg15[%dma_wait3A_180, %dma_wait3A_181] : memref<10000x128xbf16, #tpu.memory_space<vmem_shared>> -> memref<10000x128xbf16, #tpu.memory_space<vmem_shared>>
      tpu.wait_indirect_dma semaphore(%arg17 : memref<!tpu.dma_semaphore, #tpu.memory_space<semaphore_mem>>) src(%dma_wait3A_182 : memref<10000x128xbf16, #tpu.memory_space<vmem_shared>>) dst(%dma_wait3A_176 : memref<125x128xbf16, #tpu.memory_space<vmem>>)
      %add3A_183 = arith.constant 1 : i32
      %add3A_184 = arith.addi %mul3A_104, %add3A_183 : i32
    }
    %scan3A_41 = arith.constant 39 : i32
    %dma_start3A_42 = arith.constant 79 : i32
    %dma_start3A_43 = arith.constant 0 : i32
    %dma_start3A_44 = arith.constant 0 : i32
    %dma_start3A_45 = tpu.memref_slice %arg12[%dma_start3A_43, %dma_start3A_44] : memref<128x128xbf16, #tpu.memory_space<vmem>> -> memref<125x128xbf16, #tpu.memory_space<vmem>>
    %dma_start3A_46 = arith.constant 0 : i32
    %dma_start3A_47 = tpu.memref_slice %arg8[%dma_start3A_42, %dma_start3A_46] : memref<80x125xi32, #tpu.memory_space<vmem>> -> memref<1x125xi32, #tpu.memory_space<vmem>>
    %dma_start3A_48 = tpu.memref_squeeze %dma_start3A_47 : memref<1x125xi32, #tpu.memory_space<vmem>> -> memref<125xi32, #tpu.memory_space<vmem>>
    %dma_start3A_49 = arith.constant 0 : i32
    %dma_start3A_50 = arith.constant 0 : i32
    %dma_start3A_51 = tpu.memref_slice %arg15[%dma_start3A_49, %dma_start3A_50] : memref<10000x128xbf16, #tpu.memory_space<vmem_shared>> -> memref<10000x128xbf16, #tpu.memory_space<vmem_shared>>
    tpu.enqueue_indirect_dma source(%dma_start3A_51 : memref<10000x128xbf16, #tpu.memory_space<vmem_shared>>) target(%dma_start3A_45 : memref<125x128xbf16, #tpu.memory_space<vmem>>) offsets(%dma_start3A_48 : memref<125xi32, #tpu.memory_space<vmem>>) semaphore(%arg17 : memref<!tpu.dma_semaphore, #tpu.memory_space<semaphore_mem>>)
    %dma_start3A_52 = arith.constant 79 : i32
    %dma_start3A_53 = arith.constant 0 : i32
    %dma_start3A_54 = arith.constant 0 : i32
    %dma_start3A_55 = tpu.memref_slice %arg13[%dma_start3A_53, %dma_start3A_54] : memref<128x128xbf16, #tpu.memory_space<vmem>> -> memref<125x128xbf16, #tpu.memory_space<vmem>>
    %dma_start3A_56 = arith.constant 0 : i32
    %dma_start3A_57 = tpu.memref_slice %arg9[%dma_start3A_52, %dma_start3A_56] : memref<80x125xi32, #tpu.memory_space<vmem>> -> memref<1x125xi32, #tpu.memory_space<vmem>>
    %dma_start3A_58 = tpu.memref_squeeze %dma_start3A_57 : memref<1x125xi32, #tpu.memory_space<vmem>> -> memref<125xi32, #tpu.memory_space<vmem>>
    %dma_start3A_59 = arith.constant 0 : i32
    %dma_start3A_60 = arith.constant 0 : i32
    %dma_start3A_61 = tpu.memref_slice %arg15[%dma_start3A_59, %dma_start3A_60] : memref<10000x128xbf16, #tpu.memory_space<vmem_shared>> -> memref<10000x128xbf16, #tpu.memory_space<vmem_shared>>
    tpu.enqueue_indirect_dma source(%dma_start3A_61 : memref<10000x128xbf16, #tpu.memory_space<vmem_shared>>) target(%dma_start3A_55 : memref<125x128xbf16, #tpu.memory_space<vmem>>) offsets(%dma_start3A_58 : memref<125xi32, #tpu.memory_space<vmem>>) semaphore(%arg17 : memref<!tpu.dma_semaphore, #tpu.memory_space<semaphore_mem>>)
    %dma_wait3A_62 = arith.constant 78 : i32
    %dma_wait3A_63 = arith.constant 0 : i32
    %dma_wait3A_64 = arith.constant 0 : i32
    %dma_wait3A_65 = tpu.memref_slice %arg10[%dma_wait3A_63, %dma_wait3A_64] : memref<128x128xbf16, #tpu.memory_space<vmem>> -> memref<125x128xbf16, #tpu.memory_space<vmem>>
    %dma_wait3A_66 = arith.constant 0 : i32
    %dma_wait3A_67 = tpu.memref_slice %arg8[%dma_wait3A_62, %dma_wait3A_66] : memref<80x125xi32, #tpu.memory_space<vmem>> -> memref<1x125xi32, #tpu.memory_space<vmem>>
    %dma_wait3A_68 = tpu.memref_squeeze %dma_wait3A_67 : memref<1x125xi32, #tpu.memory_space<vmem>> -> memref<125xi32, #tpu.memory_space<vmem>>
    %dma_wait3A_69 = arith.constant 0 : i32
    %dma_wait3A_70 = arith.constant 0 : i32
    %dma_wait3A_71 = tpu.memref_slice %arg15[%dma_wait3A_69, %dma_wait3A_70] : memref<10000x128xbf16, #tpu.memory_space<vmem_shared>> -> memref<10000x128xbf16, #tpu.memory_space<vmem_shared>>
    tpu.wait_indirect_dma semaphore(%arg16 : memref<!tpu.dma_semaphore, #tpu.memory_space<semaphore_mem>>) src(%dma_wait3A_71 : memref<10000x128xbf16, #tpu.memory_space<vmem_shared>>) dst(%dma_wait3A_65 : memref<125x128xbf16, #tpu.memory_space<vmem>>)
    %dma_wait3A_72 = arith.constant 78 : i32
    %dma_wait3A_73 = arith.constant 0 : i32
    %dma_wait3A_74 = arith.constant 0 : i32
    %dma_wait3A_75 = tpu.memref_slice %arg11[%dma_wait3A_73, %dma_wait3A_74] : memref<128x128xbf16, #tpu.memory_space<vmem>> -> memref<125x128xbf16, #tpu.memory_space<vmem>>
    %dma_wait3A_76 = arith.constant 0 : i32
    %dma_wait3A_77 = tpu.memref_slice %arg9[%dma_wait3A_72, %dma_wait3A_76] : memref<80x125xi32, #tpu.memory_space<vmem>> -> memref<1x125xi32, #tpu.memory_space<vmem>>
    %dma_wait3A_78 = tpu.memref_squeeze %dma_wait3A_77 : memref<1x125xi32, #tpu.memory_space<vmem>> -> memref<125xi32, #tpu.memory_space<vmem>>
    %dma_wait3A_79 = arith.constant 0 : i32
    %dma_wait3A_80 = arith.constant 0 : i32
    %dma_wait3A_81 = tpu.memref_slice %arg15[%dma_wait3A_79, %dma_wait3A_80] : memref<10000x128xbf16, #tpu.memory_space<vmem_shared>> -> memref<10000x128xbf16, #tpu.memory_space<vmem_shared>>
    tpu.wait_indirect_dma semaphore(%arg16 : memref<!tpu.dma_semaphore, #tpu.memory_space<semaphore_mem>>) src(%dma_wait3A_81 : memref<10000x128xbf16, #tpu.memory_space<vmem_shared>>) dst(%dma_wait3A_75 : memref<125x128xbf16, #tpu.memory_space<vmem>>)
    %dma_wait3A_82 = arith.constant 79 : i32
    %dma_wait3A_83 = arith.constant 0 : i32
    %dma_wait3A_84 = arith.constant 0 : i32
    %dma_wait3A_85 = tpu.memref_slice %arg12[%dma_wait3A_83, %dma_wait3A_84] : memref<128x128xbf16, #tpu.memory_space<vmem>> -> memref<125x128xbf16, #tpu.memory_space<vmem>>
    %dma_wait3A_86 = arith.constant 0 : i32
    %dma_wait3A_87 = tpu.memref_slice %arg8[%dma_wait3A_82, %dma_wait3A_86] : memref<80x125xi32, #tpu.memory_space<vmem>> -> memref<1x125xi32, #tpu.memory_space<vmem>>
    %dma_wait3A_88 = tpu.memref_squeeze %dma_wait3A_87 : memref<1x125xi32, #tpu.memory_space<vmem>> -> memref<125xi32, #tpu.memory_space<vmem>>
    %dma_wait3A_89 = arith.constant 0 : i32
    %dma_wait3A_90 = arith.constant 0 : i32
    %dma_wait3A_91 = tpu.memref_slice %arg15[%dma_wait3A_89, %dma_wait3A_90] : memref<10000x128xbf16, #tpu.memory_space<vmem_shared>> -> memref<10000x128xbf16, #tpu.memory_space<vmem_shared>>
    tpu.wait_indirect_dma semaphore(%arg17 : memref<!tpu.dma_semaphore, #tpu.memory_space<semaphore_mem>>) src(%dma_wait3A_91 : memref<10000x128xbf16, #tpu.memory_space<vmem_shared>>) dst(%dma_wait3A_85 : memref<125x128xbf16, #tpu.memory_space<vmem>>)
    %dma_wait3A_92 = arith.constant 79 : i32
    %dma_wait3A_93 = arith.constant 0 : i32
    %dma_wait3A_94 = arith.constant 0 : i32
    %dma_wait3A_95 = tpu.memref_slice %arg13[%dma_wait3A_93, %dma_wait3A_94] : memref<128x128xbf16, #tpu.memory_space<vmem>> -> memref<125x128xbf16, #tpu.memory_space<vmem>>
    %dma_wait3A_96 = arith.constant 0 : i32
    %dma_wait3A_97 = tpu.memref_slice %arg9[%dma_wait3A_92, %dma_wait3A_96] : memref<80x125xi32, #tpu.memory_space<vmem>> -> memref<1x125xi32, #tpu.memory_space<vmem>>
    %dma_wait3A_98 = tpu.memref_squeeze %dma_wait3A_97 : memref<1x125xi32, #tpu.memory_space<vmem>> -> memref<125xi32, #tpu.memory_space<vmem>>
    %dma_wait3A_99 = arith.constant 0 : i32
    %dma_wait3A_100 = arith.constant 0 : i32
    %dma_wait3A_101 = tpu.memref_slice %arg15[%dma_wait3A_99, %dma_wait3A_100] : memref<10000x128xbf16, #tpu.memory_space<vmem_shared>> -> memref<10000x128xbf16, #tpu.memory_space<vmem_shared>>
    tpu.wait_indirect_dma semaphore(%arg17 : memref<!tpu.dma_semaphore, #tpu.memory_space<semaphore_mem>>) src(%dma_wait3A_101 : memref<10000x128xbf16, #tpu.memory_space<vmem_shared>>) dst(%dma_wait3A_95 : memref<125x128xbf16, #tpu.memory_space<vmem>>)
    "tpu.region"() ({
      %run_scoped3A = tpu.sem_alloc : memref<!tpu.dma_semaphore, #tpu.memory_space<semaphore_mem>>
      %dma_start3A_102 = arith.constant 0 : i32
      %dma_start3A_103 = arith.constant 0 : i32
      %dma_start3A_104 = tpu.memref_slice %arg7[%add3A, %dma_start3A_102, %dma_start3A_103] : memref<32x80x128xf32, #tpu.memory_space<hbm>> -> memref<1x80x128xf32, #tpu.memory_space<hbm>>
      %dma_start3A_105 = tpu.memref_squeeze %dma_start3A_104 : memref<1x80x128xf32, #tpu.memory_space<hbm>> -> memref<80x128xf32, #tpu.memory_space<hbm>>
      %dma_start3A_106 = arith.constant 0 : i32
      %dma_start3A_107 = arith.constant 0 : i32
      %dma_start3A_108 = tpu.memref_slice %arg7[%add3A, %dma_start3A_106, %dma_start3A_107] : memref<32x80x128xf32, #tpu.memory_space<hbm>> -> memref<1x80x128xf32, #tpu.memory_space<hbm>>
      %dma_start3A_109 = tpu.memref_squeeze %dma_start3A_108 : memref<1x80x128xf32, #tpu.memory_space<hbm>> -> memref<80x128xf32, #tpu.memory_space<hbm>>
      tpu.enqueue_dma source(%arg14 : memref<80x128xf32, #tpu.memory_space<vmem>>) target(%dma_start3A_109 : memref<80x128xf32, #tpu.memory_space<hbm>>) target_semaphore(%run_scoped3A : memref<!tpu.dma_semaphore, #tpu.memory_space<semaphore_mem>>)
      %dma_wait3A_110 = arith.constant 0 : i32
      %dma_wait3A_111 = arith.constant 0 : i32
      %dma_wait3A_112 = tpu.memref_slice %arg7[%add3A, %dma_wait3A_110, %dma_wait3A_111] : memref<32x80x128xf32, #tpu.memory_space<hbm>> -> memref<1x80x128xf32, #tpu.memory_space<hbm>>
      %dma_wait3A_113 = tpu.memref_squeeze %dma_wait3A_112 : memref<1x80x128xf32, #tpu.memory_space<hbm>> -> memref<80x128xf32, #tpu.memory_space<hbm>>
      %dma_wait3A_114 = arith.constant 0 : i32
      %dma_wait3A_115 = arith.constant 0 : i32
      %dma_wait3A_116 = tpu.memref_slice %arg7[%add3A, %dma_wait3A_114, %dma_wait3A_115] : memref<32x80x128xf32, #tpu.memory_space<hbm>> -> memref<1x80x128xf32, #tpu.memory_space<hbm>>
      %dma_wait3A_117 = tpu.memref_squeeze %dma_wait3A_116 : memref<1x80x128xf32, #tpu.memory_space<hbm>> -> memref<80x128xf32, #tpu.memory_space<hbm>>
      tpu.wait_dma2 semaphore(%run_scoped3A : memref<!tpu.dma_semaphore, #tpu.memory_space<semaphore_mem>>) src(%arg14 : memref<80x128xf32, #tpu.memory_space<vmem>>) dst(%dma_wait3A_117 : memref<80x128xf32, #tpu.memory_space<hbm>>)
      tpu.yield
    }) : () -> ()
    return
  }
}

module attributes {stable_mosaic.version = 14 : i64} {
  func.func @_tc_loss_body(%arg0: memref<2560x128xf32, #tpu.memory_space<vmem>>, %arg1: memref<1x1xf32, #tpu.memory_space<smem>>) attributes {dimension_semantics = [], scalar_prefetch = 0 : i64, scratch_operands = 0 : i64, tpu.core_type = #tpu.core_type<tc>} {
    %get3A = arith.constant 0 : index
    %get3A_0 = arith.constant 0 : index
    %get3A_1 = vector.load %arg0[%get3A, %get3A_0] : memref<2560x128xf32, #tpu.memory_space<vmem>>, vector<2560x128xf32>
    %iota3A = tpu.iota {dimensions = array<i32: 0>} : vector<2560x128xi32>
    %iota3A_2 = tpu.iota {dimensions = array<i32: 1>} : vector<2560x128xi32>
    %lt3A = arith.constant 1280 : i32
    %lt3A_3 = vector.broadcast %lt3A : i32 to vector<2560x128xi32>
    %lt3A_4 = arith.cmpi slt, %iota3A, %lt3A_3 : vector<2560x128xi32>
    %neg3A = arith.constant 0.000000e+00 : f32
    %neg3A_5 = vector.broadcast %neg3A : f32 to vector<2560x128xf32>
    %neg3A_6 = arith.subf %neg3A_5, %get3A_1 : vector<2560x128xf32>
    %select_n3A = arith.select %lt3A_4, %neg3A_6, %get3A_1 : vector<2560x128xi1>, vector<2560x128xf32>
    %max3A = arith.constant 0.000000e+00 : f32
    %max3A_7 = vector.broadcast %max3A : f32 to vector<2560x128xf32>
    %max3A_8 = arith.maximumf %select_n3A, %max3A_7 : vector<2560x128xf32>
    %abs3A = math.absf %select_n3A : vector<2560x128xf32>
    %neg3A_9 = arith.constant 0.000000e+00 : f32
    %neg3A_10 = vector.broadcast %neg3A_9 : f32 to vector<2560x128xf32>
    %neg3A_11 = arith.subf %neg3A_10, %abs3A : vector<2560x128xf32>
    %exp3A = math.exp %neg3A_11 : vector<2560x128xf32>
    %log1p3A = math.log1p %exp3A : vector<2560x128xf32>
    %add3A = arith.addf %max3A_8, %log1p3A : vector<2560x128xf32>
    %lt3A_12 = arith.constant 125 : i32
    %lt3A_13 = vector.broadcast %lt3A_12 : i32 to vector<2560x128xi32>
    %lt3A_14 = arith.cmpi slt, %iota3A_2, %lt3A_13 : vector<2560x128xi32>
    %jit3A = arith.constant 0.000000e+00 : f32
    %broadcast_in_dim3A = vector.broadcast %jit3A : f32 to vector<2560x128xf32>
    %select_n3A_15 = arith.select %lt3A_14, %add3A, %broadcast_in_dim3A : vector<2560x128xi1>, vector<2560x128xf32>
    %reduce_sum3A = vector.shape_cast %select_n3A_15 : vector<2560x128xf32> to vector<1x2560x128xf32>
    %reduce_sum3A_16 = arith.constant dense<0.000000e+00> : vector<1xf32>
    %reduce_sum3A_17 = vector.multi_reduction <add>, %reduce_sum3A, %reduce_sum3A_16 [1, 2] : vector<1x2560x128xf32> to vector<1xf32>
    %reduce_sum3A_18 = vector.shape_cast %reduce_sum3A_17 : vector<1xf32> to vector<1x1x1xf32>
    %reduce_sum3A_19 = vector.extract %reduce_sum3A_18[0, 0, 0] : f32 from vector<1x1x1xf32>
    %mul3A = arith.constant 3.125000e-06 : f32
    %mul3A_20 = arith.mulf %reduce_sum3A_19, %mul3A : f32
    %swap3A = arith.constant 0 : index
    %swap3A_21 = arith.constant 0 : index
    %swap3A_22 = memref.load %arg1[%swap3A, %swap3A_21] : memref<1x1xf32, #tpu.memory_space<smem>>
    memref.store %mul3A_20, %arg1[%swap3A, %swap3A_21] : memref<1x1xf32, #tpu.memory_space<smem>>
    return
  }
}

</mosaic_0001>

<sc_bundles>
// kernel: kernel.4.cloned.1.call-start
scs
__scs_entry_jumppad:
0x0: {  	(pc) =	sbr.rel $0x88, $3  }
0x1: {  	(tag) =	ssettag $0x0;
	lr =	simm.s32 $0x1  }
0x2: {  	[smem:$0x3F9E] =	sst lr;
	_ =	strace $0xD0000000  }
0x3: {  	_ = 	snop  }
0x4: {  	_ = 	snop  }
0x5: {  	_ = 	snop  }
0x6: {  	_ = 	snop  }
0x7: {  	_ = 	snop  }
__scs_overlays_trampoline_lowered:
0x8: {  	[smem:$0x3FAD] =	sst s0  }
0x9: {  	[smem:$0x3FAE] =	sst s1  }
0xa: {  	[smem:$0x3FAF] =	sst s2  }
0xb: {  	[smem:$0x3FB0] =	sst s3  }
0xc: {  	[smem:$0x3FB1] =	sst s4  }
0xd: {  	[smem:$0x3FB2] =	sst s5  }
0xe: {  	[smem:$0x3FB3] =	sst s6  }
0xf: {  	[smem:$0x3FB4] =	sst s7  }
0x10: {  	[smem:$0x3FB5] =	sst s8  }
0x11: {  	[smem:$0x3FB6] =	sst s9;
	s0 =	simm.s32 @!p0 $0x0  }
0x12: {  	s1 =	sld [smem:$0x3F9C];
	s0 =	simm.s32 @p0 $0x1  }
0x13: {  	[smem:$0x3FB7] =	sst s0;
	s0 =	simm.s32 @!p1 $0x0  }
0x14: {  	s2 =	sld [smem:$0x3F9B];
	s0 =	simm.s32 @p1 $0x1  }
0x15: {  	[smem:$0x3FB8] =	sst s0;
	s0 =	simm.s32 @!p2 $0x0  }
0x16: {  	s3 =	sld [smem:$0x3FDB];
	s0 =	simm.s32 @p2 $0x1  }
0x17: {  	s4 =	simm.s32 $0x1BF5;
	[smem:$0x3FBA] =	sst s0  }
0x18: {  	s0 =	sld [smem:$0x3F9D];
	_ =	swait.ge [sflag:s4], $0x0  }
0x19: {  	s7 =	sld [smem:$0x3F9E]  }
0x1a: {  	s8 =	sadd.s32 $0xFFFFE003, lr  }
0x1b: {  	s9 =	sadd.s32 $0xFFFFFEF7, lr;
	s5 =	simm.s32 $0xFFFFFFFF;
	p2 =	slt.u32 s8, $0xFFFFF086  }
0x1c: {  	p1 =	slt.u32 s9, $0xF7A;
	s5 =	simm.s32 @!p2 $0x0  }
0x1d: {  	s5 =	simm.s32 @p1 $0x1;
	p0 =	seq.s32 s7, s2  }
0x1e: {  	s7 =	smul.u32 @!p0 $0xF7A, s2;
	p2 =	seq.s32 @!p0 s5, $0x0  }
0x1f: {  	s9 =	smul.u32 $0xF7A, s1;
	s8 =	simm.s32 @!p0 $0x1BF5;
	p2 =	por !p2, p0  }
0x20: {  	[sflag:s8] =	ssyncset.s32 @!p0 $0xFFFFF086;
	s6 =	sadd.s32 @!p0 s3, s7;
	s7 =	simm.s32 @!p0 $0x108  }
0x21: {  	s3 =	sadd.s32 s3, s9;
	s6 =	sadd.s32 @!p0 $0x88, s6;
	s7 =	simm.s32 @p2 $0x1082  }
0x22: {  	[simem:s7], [sflag:s8] =	dma.local @!p0 [hbm:s6], $0xF7A  }
0x23: {  	s9 =	sor.u32 $0xD0000000, s2;
	s6 =	simm.s32 $0x108;
	_ =	swait.ge @!p0 [sflag:s8], $0x0  }
0x24: {  	s3 =	sadd.s32 $0x88, s3;
	s6 =	simm.s32 @!p1 $0x1082;
	[sflag:s4] =	ssyncset.s32 $0xFFFFF086  }
0x25: {  	[simem:s6], [sflag:s4] =	dma.local [hbm:s3], $0xF7A  }
0x26: {  	[smem:$0x3F9E] =	sst s1;
	(tag) =	ssettag s2;
	_ =	strace s9  }
0x27: {  	s1 =	sld [smem:$0x3FAE]  }
0x28: {  	s2 =	sld [smem:$0x3FAF]  }
0x29: {  	s4 =	sld [smem:$0x3FB1]  }
0x2a: {  	p0 =	seq.s32 s5, $0x0;
	s5 =	sld [smem:$0x3FB2]  }
0x2b: {  	s6 =	sld [smem:$0x3FB3]  }
0x2c: {  	s7 =	sld [smem:$0x3FB4]  }
0x2d: {  	s3 =	simm.s32 $0x108;
	s8 =	sld [smem:$0x3FB5]  }
0x2e: {  	s3 =	simm.s32 @!p0 $0x1082;
	s9 =	sld [smem:$0x3FB6]  }
0x2f: {  	lr =	sadd.s32 s0, s3;
	s0 =	sld [smem:$0x3FAD]  }
0x30: {  	s3 =	sld [smem:$0x3FB0]  }
0x31: {  	[smem:$0x3FB9] =	sst s10  }
0x32: {  	s10 =	sld [smem:$0x3FB7];
	_ =	sdelay $0x3  }
0x33: {  	p0 =	seq.s32 s10, $0x1;
	s10 =	sld [smem:$0x3FB9];
	_ =	sdelay $0x3  }
0x34: {  	[smem:$0x3FB9] =	sst s10  }
0x35: {  	s10 =	sld [smem:$0x3FB8];
	_ =	sdelay $0x3  }
0x36: {  	p1 =	seq.s32 s10, $0x1;
	s10 =	sld [smem:$0x3FB9];
	_ =	sdelay $0x3  }
0x37: {  	[smem:$0x3FB9] =	sst s10  }
0x38: {  	s10 =	sld [smem:$0x3FBA]  }
0x39: {  	_ = 	snop;
	(pc) =	sbr.ind lr, $3  }
0x3a: {  	_ = 	snop  }
0x3b: {  	_ = 	snop  }
0x3c: {  	p2 =	seq.s32 s10, $0x1;
	s10 =	sld [smem:$0x3FB9]  }
0x3d: {  	_ =	shalt  }
0x3e: {  	_ =	shalt  }
0x3f: {  	_ =	shalt  }
0x40: {  	_ =	shalt  }
0x41: {  	_ =	shalt  }
0x42: {  	_ =	shalt  }
0x43: {  	_ =	shalt  }
0x44: {  	_ =	shalt  }
0x45: {  	_ =	shalt  }
0x46: {  	_ =	shalt  }
0x47: {  	_ =	shalt  }
0x48: {  	_ =	shalt  }
0x49: {  	_ =	shalt  }
0x4a: {  	_ =	shalt  }
0x4b: {  	_ =	shalt  }
0x4c: {  	_ =	shalt  }
0x4d: {  	_ =	shalt  }
0x4e: {  	_ =	shalt  }
0x4f: {  	_ =	shalt  }
0x50: {  	_ =	shalt  }
0x51: {  	_ =	shalt  }
0x52: {  	_ =	shalt  }
0x53: {  	_ =	shalt  }
0x54: {  	_ =	shalt  }
0x55: {  	_ =	shalt  }
0x56: {  	_ =	shalt  }
0x57: {  	_ =	shalt  }
0x58: {  	_ =	shalt  }
0x59: {  	_ =	shalt  }
0x5a: {  	_ =	shalt  }
0x5b: {  	_ =	shalt  }
0x5c: {  	_ =	shalt  }
0x5d: {  	_ =	shalt  }
0x5e: {  	_ =	shalt  }
0x5f: {  	_ =	shalt  }
0x60: {  	_ =	shalt  }
0x61: {  	_ =	shalt  }
0x62: {  	_ =	shalt  }
0x63: {  	_ =	shalt  }
0x64: {  	_ =	shalt  }
0x65: {  	_ =	shalt  }
0x66: {  	_ =	shalt  }
0x67: {  	_ =	shalt  }
0x68: {  	_ =	shalt  }
0x69: {  	_ =	shalt  }
0x6a: {  	_ =	shalt  }
0x6b: {  	_ =	shalt  }
0x6c: {  	_ =	shalt  }
0x6d: {  	_ =	shalt  }
0x6e: {  	_ =	shalt  }
0x6f: {  	_ =	shalt  }
0x70: {  	_ =	shalt  }
0x71: {  	_ =	shalt  }
0x72: {  	_ =	shalt  }
0x73: {  	_ =	shalt  }
0x74: {  	_ =	shalt  }
0x75: {  	_ =	shalt  }
0x76: {  	_ =	shalt  }
0x77: {  	_ =	shalt  }
0x78: {  	_ =	shalt  }
0x79: {  	_ =	shalt  }
0x7a: {  	_ =	shalt  }
0x7b: {  	_ =	shalt  }
0x7c: {  	_ =	shalt  }
0x7d: {  	_ =	shalt  }
0x7e: {  	_ =	shalt  }
0x7f: {  	_ =	shalt  }
0x80: {  	_ =	shalt  }
0x81: {  	_ =	shalt  }
0x82: {  	_ =	shalt  }
0x83: {  	_ =	shalt  }
0x84: {  	_ =	shalt  }
0x85: {  	_ =	shalt  }
0x86: {  	_ =	shalt  }
0x87: {  	_ =	shalt  }
.Lfunc_end0:
.L_simem_size_0:
called_computation_lowered:
.L_overlay_start_0:
0x88: {  	s2 =	sld [smem:$0x3FD9]  }
0x89: {  	s3 =	sld [smem:$0x3FFE];
	_ =	sdelay $0x1  }
0x8a: {  	s1 =	srdreg.scid  }
0x8b: {  	s0 =	sand.u32 $0x1, s1  }
0x8c: {  	s16 =	sshll.u32 s0, $0xA;
	s2 =	sadd.s32 s3, s2  }
0x8d: {  	s2 =	sadd.s32 s2, s16  }
0x8e: {  	[smem:$0x3FC5] =	sst s2  }
0x8f: {  	_ = 	snop  }
0x90: {  	(tm) =	ssettm $0x1  }
0x91: {  	s17 =	sld [smem:$0x3FFB];
	_ =	sdelay $0x3  }
0x92: {  	_ =	strace s17  }
0x93: {  	s2 =	sld [smem:$0x3FFC];
	_ =	sdelay $0x3  }
0x94: {  	_ =	strace s2  }
0x95: {  	s2 =	sld [smem:$0x3FFD];
	_ =	sdelay $0x3  }
0x96: {  	_ =	strace s2  }
0x97: {  	_ =	strace $0x8FFFFFFF  }
0x98: {  	s18 =	sld [smem:$0x3FDB];
	_ =	sdelay $0x1  }
0x99: {  	s19 =	simm.s32 $_scs_section_size  }
0x9a: {  	s4 =	simm.s32 $_size__tile_overlayer_lowered;
	s5 =	simm.s32 $_tile_overlayer_lowered  }
0x9b: {  	s22 =	simm.s32 $0x1BFF;
	s21 =	sshll.u32 s5, $0x1;
	s2 =	sadd.s32 s19, s18  }
0x9c: {  	s6 =	simm.s32 $0x0;
	s20 =	sshll.u32 s4, $0x1;
	s4 =	sadd.s32 s21, s2  }
0x9d: {  	[timem:s6], [sflag:s22] =	dma.local [hbm:s4], s20  }
0x9e: {  	_ =	swait.ge [sflag:s22], s20  }
0x9f: {  	s3 =	ssub.s32 $0x0, s20;
	[sflag:s22] =	ssyncset.done $0x0  }
0xa0: {  	[sflag:s22] =	ssyncadd.s32 s3;
	_ =	sdelay $0x1  }
0xa1: {  	s23 =	simm.s32 $0x1B8B  }
0xa2: {  	_ =	swait.ge [sflag:s23], $0x1  }
0xa3: {  	[sflag:s23] =	ssyncset.done $0x0  }
0xa4: {  	s25 =	simm.s32 $0x1B8E;
	s24 =	sld [smem:$0x3FFE];
	[sflag:s23] =	ssyncadd.s32 $0xFFFFFFFF  }
0xa5: {  	s26 =	simm.s32 $execute0_lowered;
	[smem:$0x3FD2] =	sst s25  }
0xa6: {  	s4 =	sshll.u32 s26, $0x1;
	_ =	strace $0x80000046;
	[dreg:$0x1] =	wrdreg $0xFFFFFFFF  }
0xa7: {  	s28 =	simm.s32 $_size_execute0_lowered;
	s2 =	sadd.s32 s2, s4;
	[dreg:$0x0] =	wrdreg $0x0  }
0xa8: {  	s4 =	sshll.u32 s28, $0x1;
	[dreg:$0x2] =	wrdreg s2  }
0xa9: {  	[dreg:$0x3] =	wrdreg s4  }
0xaa: {  	[dreg:$0x4] =	wrdreg $0xC0  }
0xab: {  	_ =	task [dreg:s6], $0x5FFFF  }
0xac: {  	[dreg:$0x1] =	wrdreg $0xFFFFFFFF  }
0xad: {  	[dreg:$0x0] =	wrdreg $0x60  }
0xae: {  	[dreg:$0x2] =	wrdreg s24  }
0xaf: {  	[dreg:$0x3] =	wrdreg $0xF8000  }
0xb0: {  	[dreg:$0x4] =	wrdreg $0x9  }
0xb1: {  	_ =	task.clear_ibuf [dreg:s6], $0x5FFFF;
	_ =	strace $0x90000046  }
0xb2: {  	s29 =	simm.s32 $0x9;
	_ =	strace $0x80000048  }
0xb3: {  	_ =	swait.ge [sflag:s29], $0x1  }
0xb4: {  	[sflag:s29] =	ssyncadd.s32 $0xFFFFFFFF  }
0xb5: {  	_ =	strace $0x90000048  }
0xb6: {  	_ =	sfence  }
0xb7: {  	s30 =	sld [smem:$0x0];
	_ =	sdelay $0x2  }
0xb8: {  	s31 =	sshll.u32 s1, $0xD;
	s1 =	sshrl.u32 s1, $0x2  }
0xb9: {  	s3 =	sand.u32 $0x4000, s31;
	s1 =	sadd.s32 s1, s30  }
0xba: {  	s0 =	sor.u32 s3, s0;
	s1 =	sshll.u32 s1, $0x11  }
0xbb: {  	s0 =	sor.u32 s1, s0  }
0xbc: {  	s0 =	sadd.s32 $0x8F2B, s0  }
0xbd: {  	[sflag:s0] =	ssyncadd.remote.s32 $0x1  }
0xbe: {  	_ =	sfence.sel $0xFFFF  }
0xbf: {  	[dreg:$0x0] =	wrdreg $0xFFFFFFFF;
	(pc) =	sbr.abs _section_cstart, $3  }
0xc0: {  	[dreg:$0x1] =	wrdreg $0xFFFFFFFF  }
0xc1: {  	_ =	task.clear_ibuf [dreg:s6], $0x2FFFF;
	_ =	strace $0x9FFFFFFF  }
0xc2: {  	(tm) =	ssettm $0x7FFFFFFF  }
0xc3: {  	_ =	shalt  }
tec
execute0_lowered:
.L_overlay_start_1:
0x0: {  	(tag) =	ssettag $0x1  }
0x1: {  	s4 =	rddreg [dreg:$0x0]  }
0x2: {  	s1 =	srdreg.scid;
	s0 =	stileid.u32  }
0x3: {  	s2 =	rddreg [dreg:$0x1];
	s3 =	simm.s32 $0x0;
	s15 =	simm.s32 $0x5000  }
0x4: {  	s16 =	simm.s32 $0x7000;
	s17 =	simm.s32 $0x9000;
	s18 =	simm.s32 $0xB000  }
0x5: {  	s19 =	simm.s32 $0x1;
	s20 =	simm.s32 $0x2;
	s21 =	simm.s32 $0x2780  }
0x6: {  	s22 =	simm.s32 $0x4F80;
	s23 =	simm.s32 $0xD000;
	s24 =	simm.s32 $0x0  }
0x7: {  	s5 =	sand.u32 $0x1, s1;
	s6 =	sshll.u32 s0, $0x1;
	s1 =	rddreg [dreg:$0x2]  }
0x8: {  	[smem:$0x7FF] =	sst s3;
	s9 =	smul.u32 $0x13880, s0;
	s6 =	sor.u32 s5, s6  }
0x9: {  	s31 =	sshll.u32 s0, $0x6;
	p0 =	slt.u32 s0, $0x8;
	s7 =	smul.u32 $0x2800, s6  }
0xa: {  	_ =	strace $0x80000047;
	s5 =	ssub.s32 $0x2, s5;
	s6 =	smul.u32 $0x500, s6  }
0xb: {  	s8 =	sshrl.u32 s5, $0x1;
	s29 =	sshrl.u32 s9, $0x1;
	s30 =	sshrl.u32 s9, $0x4  }
0xc: {  	s11 =	ssub.s32 s5, s8;
	s12 =	sadd.s32 s29, s2;
	s5 =	sor.u32 $0x1C03, s31  }
0xd: {  	s7 =	sadd.s32 $0xFFFD8000, s7;
	s10 =	sadd.s32 s6, s4;
	s9 =	smax.u32 s11, $0x1  }
0xe: {  	s11 =	simm.s32 $0x4;
	s7 =	sshrl.u32 s7, $0x3;
	s13 =	sadd.s32 $0x13A00, s10  }
0xf: {  	s14 =	sadd.s32 $0x18A00, s10;
	s8 =	sadd.s32 $0x27A00, s10;
	s7 =	sadd.s32 s7, s4  }
0x10: {  	s10 =	sshrl.u32 s12, $0x3;
	s12 =	simm.s32 $0x2800;
	s6 =	sadd.s32 $0x1DA00, s7  }
0x11: {  	s4 =	sadd.s32 s4, s30;
	s7 =	sadd.s32 $0x22A00, s7;
	s6 =	smov.u32 @p0 s13  }
0x12: {  	s7 =	smov.u32 @p0 s14;
	s13 =	simm.s32 $0x3;
	s14 =	simm.s32 $0x7D  }
.LBB2_1:
0x13: {  	[spmem:s10], [sflag:s5] =	dma.local [hbm:s4], $0x1388  }
0x14: {  	[tilespmem:s3], [sflag:$0x4] =	stream.linear.gather [hbm4b:s6+s3], $0x2800, $0x38;
	[tilespmem:$0x19440] =	vst v63  }
0x15: {  	_ =	swait.ge [sflag:s11], $0x2800  }
0x16: {  	[sflag:s11] =	ssyncset.done $0x0  }
0x17: {  	[sflag:s11] =	ssyncadd.s32 $0xFFFFD800  }
0x18: {  	[tilespmem:s12], [sflag:$0x4] =	stream.linear.gather [hbm4b:s7+s3], $0x2800, $0x38;
	[tilespmem:$0x19440] =	vst v63  }
0x19: {  	_ =	swait.ge [sflag:s11], $0x2800  }
0x1a: {  	[sflag:s11] =	ssyncset.done $0x0  }
0x1b: {  	[sflag:s11] =	ssyncadd.s32 $0xFFFFD800  }
0x1c: {  	_ =	swait.ge [sflag:s13], $0x1388  }
0x1d: {  	[sflag:s13] =	ssyncset.done $0x0  }
0x1e: {  	[sflag:s13] =	ssyncadd.s32 $0xFFFFEC78  }
0x1f: {  	[bflag:$0x0] =	sbarrier.arrive $0xFFFF  }
0x20: {  	[tilespmem:s15], [sflag:$0x1] =	stream.indirect.gather [spmem:s2], $0x40, s3, s14, $0xb8;
	[tilespmem:$0x19440] =	vst v63  }
0x21: {  	_ = 	snop  }
0x22: {  	[tilespmem:s16], [sflag:$0x1] =	stream.indirect.gather [spmem:s2], $0x40, s12, s14, $0xb8;
	[tilespmem:$0x19440] =	vst v63  }
0x23: {  	s25 =	simm.s32 $0x80  }
0x24: {  	[tilespmem:s17], [sflag:$0x2] =	stream.indirect.gather [spmem:s2], $0x40, s25, s14, $0xb8;
	[tilespmem:$0x19440] =	vst v63  }
0x25: {  	s29 =	simm.s32 $0x2880  }
0x26: {  	[tilespmem:s18], [sflag:$0x2] =	stream.indirect.gather [spmem:s2], $0x40, s29, s14, $0xb8;
	[tilespmem:$0x19440] =	vst v63  }
0x27: {  	_ =	swait.ge [sflag:s19], $0x1F40  }
0x28: {  	[sflag:s19] =	ssyncset.done $0x0  }
0x29: {  	[sflag:s19] =	ssyncadd.s32 $0xFFFFE0C0  }
0x2a: {  	_ =	swait.ge [sflag:s19], $0x1F40  }
0x2b: {  	[sflag:s19] =	ssyncset.done $0x0  }
0x2c: {  	s30 =	simm.s32 $0x100;
	[sflag:s19] =	ssyncadd.s32 $0xFFFFE0C0  }
0x2d: {  	[tilespmem:s15], [sflag:$0x1] =	stream.indirect.gather [spmem:s2], $0x40, s30, s14, $0xb8;
	[tilespmem:$0x19440] =	vst v63  }
0x2e: {  	s31 =	simm.s32 $0x2900  }
0x2f: {  	[tilespmem:s16], [sflag:$0x1] =	stream.indirect.gather [spmem:s2], $0x40, s31, s14, $0xb8;
	[tilespmem:$0x19440] =	vst v63  }
0x30: {  	_ =	swait.ge [sflag:s20], $0x1F40  }
0x31: {  	[sflag:s20] =	ssyncset.done $0x0  }
0x32: {  	[sflag:s20] =	ssyncadd.s32 $0xFFFFE0C0  }
0x33: {  	_ =	swait.ge [sflag:s20], $0x1F40  }
0x34: {  	s26 =	simm.s32 $0xFFFF6C00;
	s25 =	simm.s32 $0xFFFFDA00;
	[sflag:s20] =	ssyncset.done $0x0  }
.LBB2_2:
0x35: {  	s28 =	sadd.s32 $0x2780, s25  }
0x36: {  	[sflag:s20] =	ssyncadd.s32 $0xFFFFE0C0;
	s29 =	smov.u32 s26;
	s30 =	sadd.s32 $0x400, s26  }
0x37: {  	[tilespmem:s17], [sflag:$0x2] =	stream.indirect.gather [spmem:s2], $0x40, s28, s14, $0xb8;
	[tilespmem:$0x19440] =	vst v63  }
0x38: {  	p0 =	sne.s32 s26, $0xFFFFFC00;
	s26 =	sadd.s32 $0x4F80, s25  }
0x39: {  	[tilespmem:s18], [sflag:$0x2] =	stream.indirect.gather [spmem:s2], $0x40, s26, s14, $0xb8;
	[tilespmem:$0x19440] =	vst v63  }
0x3a: {  	_ =	swait.ge [sflag:s19], $0x1F40  }
0x3b: {  	[sflag:s19] =	ssyncset.done $0x0  }
0x3c: {  	[sflag:s19] =	ssyncadd.s32 $0xFFFFE0C0  }
0x3d: {  	_ =	swait.ge [sflag:s19], $0x1F40  }
0x3e: {  	[sflag:s19] =	ssyncset.done $0x0  }
0x3f: {  	s26 =	sadd.s32 $0x2800, s25;
	[sflag:s19] =	ssyncadd.s32 $0xFFFFE0C0  }
0x40: {  	[tilespmem:s15], [sflag:$0x1] =	stream.indirect.gather [spmem:s2], $0x40, s26, s14, $0xb8;
	[tilespmem:$0x19440] =	vst v63  }
0x41: {  	s25 =	sadd.s32 $0x5000, s25  }
0x42: {  	[tilespmem:s16], [sflag:$0x1] =	stream.indirect.gather [spmem:s2], $0x40, s25, s14, $0xb8;
	[tilespmem:$0x19440] =	vst v63  }
.Ltmp0:
0x43: {  	_ =	swait.ge [sflag:s20], $0x1F40;
	(pc) =	sbr.rel @p0 .LBB2_2-.Ltmp0, $4  }
0x44: {  	[sflag:s20] =	ssyncset.done $0x0  }
0x45: {  	[sflag:s20] =	ssyncadd.s32 $0xFFFFE0C0  }
0x46: {  	_ =	swait.ge [sflag:s20], $0x1F40  }
0x47: {  	s26 =	smov.u32 s30;
	s25 =	sshra.s32 s29, $0x2;
	[sflag:s20] =	ssyncset.done $0x0  }
0x48: {  	s26 =	sadd.s32 $0x2780, s25;
	[sflag:s20] =	ssyncadd.s32 $0xFFFFE0C0  }
0x49: {  	[tilespmem:s17], [sflag:$0x2] =	stream.indirect.gather [spmem:s2], $0x40, s26, s14, $0xb8;
	[tilespmem:$0x19440] =	vst v63  }
0x4a: {  	s29 =	sadd.s32 $0x4F80, s25  }
0x4b: {  	[tilespmem:s18], [sflag:$0x2] =	stream.indirect.gather [spmem:s2], $0x40, s29, s14, $0xb8;
	[tilespmem:$0x19440] =	vst v63  }
0x4c: {  	_ =	swait.ge [sflag:s19], $0x1F40  }
0x4d: {  	[sflag:s19] =	ssyncset.done $0x0  }
0x4e: {  	[sflag:s19] =	ssyncadd.s32 $0xFFFFE0C0  }
0x4f: {  	_ =	swait.ge [sflag:s19], $0x1F40  }
0x50: {  	[sflag:s19] =	ssyncset.done $0x0  }
0x51: {  	s30 =	sadd.s32 $0x2800, s25;
	[sflag:s19] =	ssyncadd.s32 $0xFFFFE0C0  }
0x52: {  	[tilespmem:s15], [sflag:$0x1] =	stream.indirect.gather [spmem:s2], $0x40, s30, s14, $0xb8;
	[tilespmem:$0x19440] =	vst v63  }
0x53: {  	s31 =	sadd.s32 $0x5000, s25  }
0x54: {  	[tilespmem:s16], [sflag:$0x1] =	stream.indirect.gather [spmem:s2], $0x40, s31, s14, $0xb8;
	[tilespmem:$0x19440] =	vst v63  }
0x55: {  	_ =	swait.ge [sflag:s20], $0x1F40  }
0x56: {  	[sflag:s20] =	ssyncset.done $0x0  }
0x57: {  	[sflag:s20] =	ssyncadd.s32 $0xFFFFE0C0  }
0x58: {  	_ =	swait.ge [sflag:s20], $0x1F40  }
0x59: {  	[sflag:s20] =	ssyncset.done $0x0  }
0x5a: {  	[sflag:s20] =	ssyncadd.s32 $0xFFFFE0C0  }
0x5b: {  	[tilespmem:s17], [sflag:$0x2] =	stream.indirect.gather [spmem:s2], $0x40, s21, s14, $0xb8;
	[tilespmem:$0x19440] =	vst v63  }
0x5c: {  	_ = 	snop  }
0x5d: {  	[tilespmem:s18], [sflag:$0x2] =	stream.indirect.gather [spmem:s2], $0x40, s22, s14, $0xb8;
	[tilespmem:$0x19440] =	vst v63  }
0x5e: {  	_ =	swait.ge [sflag:s19], $0x1F40  }
0x5f: {  	[sflag:s19] =	ssyncset.done $0x0  }
0x60: {  	[sflag:s19] =	ssyncadd.s32 $0xFFFFE0C0  }
0x61: {  	_ =	swait.ge [sflag:s19], $0x1F40  }
0x62: {  	[sflag:s19] =	ssyncset.done $0x0  }
0x63: {  	[sflag:s19] =	ssyncadd.s32 $0xFFFFE0C0  }
0x64: {  	_ =	swait.ge [sflag:s20], $0x1F40  }
0x65: {  	[sflag:s20] =	ssyncset.done $0x0  }
0x66: {  	[sflag:s20] =	ssyncadd.s32 $0xFFFFE0C0  }
0x67: {  	s24 =	sadd.s32 $0x1, s24;
	_ =	swait.ge [sflag:s20], $0x1F40  }
0x68: {  	p0 =	sne.s32 s24, s9;
	[sflag:s20] =	ssyncset.done $0x0  }
.Ltmp1:
0x69: {  	[sflag:s20] =	ssyncadd.s32 $0xFFFFE0C0;
	(pc) =	sbr.rel @p0 .LBB2_1-.Ltmp1, $4  }
0x6a: {  	[hbm4b:s8+s3] =	stream.linear.scatter [tilespmem:s23], [sflag:$0x4], $0x2800, $0x38;
	[tilespmem:$0x19440] =	vst v63  }
0x6b: {  	_ =	swait.ge [sflag:s11], $0x2800  }
0x6c: {  	[sflag:s11] =	ssyncset.done $0x0  }
0x6d: {  	[sflag:s11] =	ssyncadd.s32 $0xFFFFD800  }
0x6e: {  	_ =	sfence.sel $0x180000  }
0x6f: {  	[bflag:$0x0] =	sbarrier.arrive $0xFFFF  }
0x70: {  	p0 =	sne.s32 s0, $0x0;
	_ =	strace $0x90000047  }
0x71: {  	s0 =	sadd.s32 @!p0 $0x100000, s1;
	[bflag:$0x2] =	sbarrier.arrive $0xFFFF  }
0x72: {  	[sflag:s0] =	ssyncadd.tile.s32 @!p0 $0x1;
	_ =	shalt  }
.Lfunc_end2:
_tile_overlayer_lowered:
.L_overlay_start_2:
0x73: {  	(tag) =	ssettag $0x2  }
0x74: {  	s0 =	rddreg [dreg:$0x0];
	s2 =	stileid.u32  }
0x75: {  	s1 =	rddreg [dreg:$0x1];
	p0 =	sne.s32 s2, $0x0  }
0x76: {  	s3 =	rddreg [dreg:$0x2];
	[bflag:$0x3] =	sbarrier.arrive $0xFFFF;
	s2 =	simm.s32 @!p0 $0x1C04  }
0x77: {  	[timem:s3], [sflag:s2] =	dma.local @!p0 [hbm:s0], s1  }
0x78: {  	s0 =	simm.s32 @!p0 $0x4  }
0x79: {  	_ =	swait.ge @!p0 [sflag:s0], s1  }
0x7a: {  	s1 =	ssub.s32 @!p0 $0x0, s1;
	[sflag:s0] =	ssyncset.done @!p0 $0x0  }
0x7b: {  	[sflag:s0] =	ssyncadd.s32 @!p0 s1  }
0x7c: {  	[bflag:$0x3] =	sbarrier.arrive $0xFFFF  }
0x7d: {  	_ =	shalt  }

</sc_bundles>
